<compile_context>
chip_gen: v7x
topology: tpu7x:2x2x1
jax: 0.10.2.dev20260603
libtpu: 0.0.44.dev20260713+nightly
codegen_flags: <defaults>
</compile_context>

<pallas_src>
import functools

import jax
import jax.numpy as jnp
from jax import lax
from jax.experimental import pallas as pl
from jax.experimental.pallas import tpu as pltpu
from jax.experimental.pallas import tpu_sc as plsc

_NC, _NS, _L = 2, 16, 16
_TB = 1024
_HEAD_TILES = 4


def _sc_lookup(mask16, w):
    n_rows, d = w.shape
    mesh = plsc.VectorSubcoreMesh(
        core_axis_name="c", subcore_axis_name="s", num_cores=1
    )

    @functools.partial(
        pl.kernel,
        mesh=mesh,
        out_type=jax.ShapeDtypeStruct((n_rows, d), jnp.float32),
        scratch_types=[
            pltpu.VMEM((_L,), jnp.int32),
            pltpu.VMEM((_L,), jnp.int32),
            pltpu.VMEM((_L, d), jnp.float32),
            pltpu.SemaphoreType.DMA,
        ],
    )
    def k(m_hbm, w_hbm, out_hbm, m_v, idx_v, rows_v, sem):
        wid = lax.axis_index("s")

        @pl.when(wid == 0)
        def _():
            pltpu.sync_copy(m_hbm, m_v)
            m0 = m_v[pl.ds(0, _L)][0]
            col = lax.iota(jnp.int32, _L)
            ids = jnp.where(col < m0, 1, 0)
            idx_v[...] = ids
            pltpu.async_copy(w_hbm.at[idx_v], rows_v, sem).wait()
            pltpu.sync_copy(rows_v.at[pl.ds(0, n_rows)], out_hbm)

    return k(mask16, w)


def _tc_head_body(mask_ref, w_ref, x_ref, o_ref):
    m0 = mask_ref[0]
    n = w_ref.shape[0]
    sel = lax.broadcasted_iota(jnp.int32, (n, 1), 0) < m0
    addend = jnp.where(sel, w_ref[1:2, :], w_ref[0:1, :])
    o_ref[...] = x_ref[...] + addend[None, :, :]


def _tc_head(x, mask_i, w):
    b, n, d = x.shape
    return pl.pallas_call(
        _tc_head_body,
        grid=(_HEAD_TILES,),
        in_specs=[
            pl.BlockSpec(memory_space=pltpu.SMEM),
            pl.BlockSpec((n, d), lambda i: (0, 0)),
            pl.BlockSpec((_TB, n, d), lambda i: (i, 0, 0)),
        ],
        out_specs=pl.BlockSpec((_TB, n, d), lambda i: (i, 0, 0)),
        out_shape=jax.ShapeDtypeStruct((b, n, d), x.dtype),
    )(mask_i, w, x)


def _tc_tail_body(emb_ref, x_ref, acc_ref, o_ref):
    o_ref[...] = x_ref[...] + emb_ref[...][None, :, :]


def _tc_tail(x, emb, acc):
    b, n, d = x.shape
    ntail = b // _TB - _HEAD_TILES
    return pl.pallas_call(
        _tc_tail_body,
        grid=(ntail,),
        in_specs=[
            pl.BlockSpec((n, d), lambda i: (0, 0)),
            pl.BlockSpec((_TB, n, d), lambda i: (i + _HEAD_TILES, 0, 0)),
            pl.BlockSpec(memory_space=pl.ANY),
        ],
        out_specs=pl.BlockSpec((_TB, n, d), lambda i: (i + _HEAD_TILES, 0, 0)),
        out_shape=jax.ShapeDtypeStruct((b, n, d), x.dtype),
        input_output_aliases={2: 0},
    )(emb, x, acc)


def kernel(x, mask, type_embedding_weight):
    mask_i = mask.astype(jnp.int32)
    mask16 = jnp.zeros((_L,), jnp.int32).at[: mask.shape[0]].set(mask_i)
    type_emb = _sc_lookup(mask16, type_embedding_weight)
    acc = _tc_head(x, mask_i, type_embedding_weight)
    return _tc_tail(x, type_emb, acc)

# --- scband reference (transcript-rebuilt; emitter-appended) ---
"""Pipeline reference for scband-modality-type-embedding-40252433498193 (READ-ONLY COPY).

The authoritative reference and input builder live on the scoring server;
editing this copy changes nothing except your own understanding.
"""

import jax, jax.numpy as jnp
import numpy as np


def setup_inputs(seed: int = 0) -> dict:
    key = jax.random.key(seed)
    k_x, k_tab = jax.random.split(key)
    x = jax.random.normal(k_x, (16384, 2, 1024), dtype=jnp.float32)
    mask = jnp.ones((2,), dtype=jnp.int64)
    # learned parameter: nn.Embedding(2, emb_size) weight, init ~ N(0,1) like torch default
    type_embedding_weight = jax.random.normal(k_tab, (2, 1024), dtype=jnp.float32)
    return {"x": x, "mask": mask, "type_embedding_weight": type_embedding_weight}


def reference(x, mask, type_embedding_weight):
    b = x.shape[0]
    # m0 + m1 is always x.shape[1] for the harness inputs (mask = ones((2,)))
    n = x.shape[1]
    # modality_type_emb = ones(b, m0+m1); modality_type_emb[:, m0:] = 0
    # equivalently: ids[:, j] = 1 if j < m0 else 0, with m0 = mask[0] (traced)
    col = jnp.arange(n, dtype=mask.dtype)
    ids = (col < mask[0]).astype(jnp.int32)
    ids = jnp.broadcast_to(ids, (b, n))
    # embedding lookup (gather)
    type_emb = jnp.take(type_embedding_weight, ids, axis=0)
    return x + type_emb

if __name__ == "__main__":
    import jax
    _d = setup_inputs()
    print(jax.jit(kernel)(*tuple(_d.values())))

</pallas_src>

<mosaic_0001>
#map = affine_map<(d0, d1) -> (0)>
#map1 = affine_map<(d0, d1) -> (0, 0)>
module attributes {stable_mosaic.version = 14 : i64} {
  func.func @k(%arg0: i32, %arg1: i32, %arg2: memref<16xi32, #tpu.memory_space<hbm>>, %arg3: memref<2x1024xf32, #tpu.memory_space<hbm>>, %arg4: memref<2x1024xf32, #tpu.memory_space<hbm>>, %arg5: memref<16xi32, #tpu.memory_space<vmem>>, %arg6: memref<16xi32, #tpu.memory_space<vmem>>, %arg7: memref<16x1024xf32, #tpu.memory_space<vmem>>, %arg8: memref<!tpu.dma_semaphore, #tpu.memory_space<semaphore_mem>>) attributes {dimension_semantics = [#tpu.dimension_semantics<core_parallel>, #tpu.dimension_semantics<subcore_parallel>], iteration_bounds = array<i64: 1, 16>, scalar_prefetch = 0 : i64, scratch_operands = 4 : i64, tpu.core_type = #tpu.core_type<sc_vector_subcore>, window_params = [{transform_indices = #map}, {transform_indices = #map1}, {transform_indices = #map1}]} {
    %eq3A = arith.constant 0 : i32
    %eq3A_0 = arith.cmpi eq, %arg1, %eq3A : i32
    %convert_element_type3A = arith.extui %eq3A_0 : i1 to i32
    %cond3A = arith.constant 0 : i32
    %cond3A_1 = arith.cmpi ne, %convert_element_type3A, %cond3A : i32
    scf.if %cond3A_1 {
      "tpu.region"() ({
        %run_scoped3A = tpu.sem_alloc : memref<!tpu.dma_semaphore, #tpu.memory_space<semaphore_mem>>
        tpu.enqueue_dma source(%arg2 : memref<16xi32, #tpu.memory_space<hbm>>) target(%arg5 : memref<16xi32, #tpu.memory_space<vmem>>) target_semaphore(%run_scoped3A : memref<!tpu.dma_semaphore, #tpu.memory_space<semaphore_mem>>)
        tpu.wait_dma2 semaphore(%run_scoped3A : memref<!tpu.dma_semaphore, #tpu.memory_space<semaphore_mem>>) src(%arg2 : memref<16xi32, #tpu.memory_space<hbm>>) dst(%arg5 : memref<16xi32, #tpu.memory_space<vmem>>)
        tpu.yield
      }) : () -> ()
      %get3A = arith.constant 0 : index
      %get3A_2 = tpu.vector_load %arg5[%get3A] {strides = array<i32>} : memref<16xi32, #tpu.memory_space<vmem>>, vector<16xi32>,
      %get3A_3 = vector.shape_cast %get3A_2 : vector<16xi32> to vector<16xi32>
      %slice3A = vector.extract_strided_slice %get3A_3 {offsets = [0], sizes = [1], strides = [1]} : vector<16xi32> to vector<1xi32>
      %squeeze3A = vector.extract %slice3A[0] : i32 from vector<1xi32>
      %iota3A = tpu.iota {dimensions = array<i32: 0>} : vector<16xi32>
      %lt3A = vector.broadcast %squeeze3A : i32 to vector<16xi32>
      %lt3A_4 = arith.cmpi slt, %iota3A, %lt3A : vector<16xi32>
      %jit3A = arith.constant 1 : i32
      %jit3A_5 = arith.constant 0 : i32
      %broadcast_in_dim3A = vector.broadcast %jit3A : i32 to vector<16xi32>
      %broadcast_in_dim3A_6 = vector.broadcast %jit3A_5 : i32 to vector<16xi32>
      %select_n3A = arith.select %lt3A_4, %broadcast_in_dim3A, %broadcast_in_dim3A_6 : vector<16xi1>, vector<16xi32>
      %swap3A = arith.constant 0 : index
      %swap3A_7 = tpu.vector_load %arg6[%swap3A] {strides = array<i32>} : memref<16xi32, #tpu.memory_space<vmem>>, vector<16xi32>,
      %swap3A_8 = vector.shape_cast %swap3A_7 : vector<16xi32> to vector<16xi32>
      %swap3A_9 = vector.shape_cast %select_n3A : vector<16xi32> to vector<16xi32>
      tpu.vector_store %arg6[%swap3A], %swap3A_9 {strides = array<i32>} : memref<16xi32, #tpu.memory_space<vmem>>, vector<16xi32>,
      %dma_start3A = arith.constant 0 : i32
      %dma_start3A_10 = arith.constant 0 : i32
      %dma_start3A_11 = tpu.memref_slice %arg3[%dma_start3A, %dma_start3A_10] : memref<2x1024xf32, #tpu.memory_space<hbm>> -> memref<2x1024xf32, #tpu.memory_space<hbm>>
      tpu.enqueue_indirect_dma source(%dma_start3A_11 : memref<2x1024xf32, #tpu.memory_space<hbm>>) target(%arg7 : memref<16x1024xf32, #tpu.memory_space<vmem>>) offsets(%arg6 : memref<16xi32, #tpu.memory_space<vmem>>) semaphore(%arg8 : memref<!tpu.dma_semaphore, #tpu.memory_space<semaphore_mem>>)
      %dma_wait3A = arith.constant 0 : i32
      %dma_wait3A_12 = arith.constant 0 : i32
      %dma_wait3A_13 = tpu.memref_slice %arg3[%dma_wait3A, %dma_wait3A_12] : memref<2x1024xf32, #tpu.memory_space<hbm>> -> memref<2x1024xf32, #tpu.memory_space<hbm>>
      tpu.wait_indirect_dma semaphore(%arg8 : memref<!tpu.dma_semaphore, #tpu.memory_space<semaphore_mem>>) src(%dma_wait3A_13 : memref<2x1024xf32, #tpu.memory_space<hbm>>) dst(%arg7 : memref<16x1024xf32, #tpu.memory_space<vmem>>)
      "tpu.region"() ({
        %run_scoped3A = tpu.sem_alloc : memref<!tpu.dma_semaphore, #tpu.memory_space<semaphore_mem>>
        %dma_start3A_14 = arith.constant 0 : i32
        %dma_start3A_15 = arith.constant 0 : i32
        %dma_start3A_16 = tpu.memref_slice %arg7[%dma_start3A_14, %dma_start3A_15] : memref<16x1024xf32, #tpu.memory_space<vmem>> -> memref<2x1024xf32, #tpu.memory_space<vmem>>
        %dma_start3A_17 = arith.constant 0 : i32
        %dma_start3A_18 = arith.constant 0 : i32
        %dma_start3A_19 = tpu.memref_slice %arg7[%dma_start3A_17, %dma_start3A_18] : memref<16x1024xf32, #tpu.memory_space<vmem>> -> memref<2x1024xf32, #tpu.memory_space<vmem>>
        tpu.enqueue_dma source(%dma_start3A_19 : memref<2x1024xf32, #tpu.memory_space<vmem>>) target(%arg4 : memref<2x1024xf32, #tpu.memory_space<hbm>>) target_semaphore(%run_scoped3A : memref<!tpu.dma_semaphore, #tpu.memory_space<semaphore_mem>>)
        %dma_wait3A_20 = arith.constant 0 : i32
        %dma_wait3A_21 = arith.constant 0 : i32
        %dma_wait3A_22 = tpu.memref_slice %arg7[%dma_wait3A_20, %dma_wait3A_21] : memref<16x1024xf32, #tpu.memory_space<vmem>> -> memref<2x1024xf32, #tpu.memory_space<vmem>>
        %dma_wait3A_23 = arith.constant 0 : i32
        %dma_wait3A_24 = arith.constant 0 : i32
        %dma_wait3A_25 = tpu.memref_slice %arg7[%dma_wait3A_23, %dma_wait3A_24] : memref<16x1024xf32, #tpu.memory_space<vmem>> -> memref<2x1024xf32, #tpu.memory_space<vmem>>
        tpu.wait_dma2 semaphore(%run_scoped3A : memref<!tpu.dma_semaphore, #tpu.memory_space<semaphore_mem>>) src(%dma_wait3A_25 : memref<2x1024xf32, #tpu.memory_space<vmem>>) dst(%arg4 : memref<2x1024xf32, #tpu.memory_space<hbm>>)
        tpu.yield
      }) : () -> ()
    } else {
    }
    return
  }
}

module attributes {stable_mosaic.version = 14 : i64} {
  func.func @_tc_tail_body(%arg0: i32, %arg1: memref<2x1024xf32, #tpu.memory_space<vmem>>, %arg2: memref<1024x2x1024xf32, #tpu.memory_space<vmem>>, %arg3: memref<16384x2x1024xf32, #tpu.memory_space<any>>, %arg4: memref<1024x2x1024xf32, #tpu.memory_space<vmem>>) attributes {dimension_semantics = [#tpu.dimension_semantics<arbitrary>], iteration_bounds = array<i64: 12>, scalar_prefetch = 0 : i64, scratch_operands = 0 : i64, tpu.core_type = #tpu.core_type<tc>, window_params = [{pipeline_mode = #tpu.pipeline_mode<synchronous>, transform_indices = @transform_0, window_bounds = array<i64: 2, 1024>}, {transform_indices = @transform_1, window_bounds = array<i64: 1024, 2, 1024>}, {}, {transform_indices = @transform_3, window_bounds = array<i64: 1024, 2, 1024>}]} {
    %get3A = arith.constant 0 : index
    %get3A_0 = arith.constant 0 : index
    %get3A_1 = arith.constant 0 : index
    %get3A_2 = vector.load %arg2[%get3A, %get3A_0, %get3A_1] : memref<1024x2x1024xf32, #tpu.memory_space<vmem>>, vector<1024x2x1024xf32>
    %get3A_3 = arith.constant 0 : index
    %get3A_4 = arith.constant 0 : index
    %get3A_5 = vector.load %arg1[%get3A_3, %get3A_4] : memref<2x1024xf32, #tpu.memory_space<vmem>>, vector<2x1024xf32>
    %broadcast_in_dim3A = vector.shape_cast %get3A_5 : vector<2x1024xf32> to vector<1x2x1024xf32>
    %add3A = vector.broadcast %broadcast_in_dim3A : vector<1x2x1024xf32> to vector<1024x2x1024xf32>
    %add3A_6 = arith.addf %get3A_2, %add3A : vector<1024x2x1024xf32>
    %swap3A = arith.constant 0 : index
    %swap3A_7 = arith.constant 0 : index
    %swap3A_8 = arith.constant 0 : index
    %swap3A_9 = vector.load %arg4[%swap3A, %swap3A_7, %swap3A_8] : memref<1024x2x1024xf32, #tpu.memory_space<vmem>>, vector<1024x2x1024xf32>
    tpu.vector_store %arg4[%swap3A, %swap3A_7, %swap3A_8], %add3A_6 {strides = array<i32>} : memref<1024x2x1024xf32, #tpu.memory_space<vmem>>, vector<1024x2x1024xf32>,
    return
  }
  func.func @transform_0(%arg0: i32) -> (i32, i32) {
    %c0_i32 = arith.constant 0 : i32
    %c0_i32_0 = arith.constant 0 : i32
    %c0_i32_1 = arith.constant 0 : i32
    return %c0_i32, %c0_i32_0 : i32, i32
  }
  func.func @transform_1(%arg0: i32) -> (i32, i32, i32) {
    %add3A = arith.constant 4 : i32
    %add3A_0 = arith.addi %arg0, %add3A : i32
    %c0_i32 = arith.constant 0 : i32
    %c0_i32_1 = arith.constant 0 : i32
    %c0_i32_2 = arith.constant 0 : i32
    return %add3A_0, %c0_i32, %c0_i32_1 : i32, i32, i32
  }
  func.func @transform_3(%arg0: i32) -> (i32, i32, i32) {
    %add3A = arith.constant 4 : i32
    %add3A_0 = arith.addi %arg0, %add3A : i32
    %c0_i32 = arith.constant 0 : i32
    %c0_i32_1 = arith.constant 0 : i32
    %c0_i32_2 = arith.constant 0 : i32
    return %add3A_0, %c0_i32, %c0_i32_1 : i32, i32, i32
  }
}

module attributes {stable_mosaic.version = 14 : i64} {
  func.func @_tc_head_body(%arg0: i32, %arg1: memref<2xi32, #tpu.memory_space<smem>>, %arg2: memref<2x1024xf32, #tpu.memory_space<vmem>>, %arg3: memref<1024x2x1024xf32, #tpu.memory_space<vmem>>, %arg4: memref<1024x2x1024xf32, #tpu.memory_space<vmem>>) attributes {dimension_semantics = [#tpu.dimension_semantics<arbitrary>], iteration_bounds = array<i64: 4>, scalar_prefetch = 0 : i64, scratch_operands = 0 : i64, tpu.core_type = #tpu.core_type<tc>, window_params = [{transform_indices = @transform_0, window_bounds = array<i64: 2>}, {pipeline_mode = #tpu.pipeline_mode<synchronous>, transform_indices = @transform_1, window_bounds = array<i64: 2, 1024>}, {transform_indices = @transform_2, window_bounds = array<i64: 1024, 2, 1024>}, {transform_indices = @transform_3, window_bounds = array<i64: 1024, 2, 1024>}]} {
    %get3A = arith.constant 0 : index
    %get3A_0 = memref.load %arg1[%get3A] : memref<2xi32, #tpu.memory_space<smem>>
    %iota3A = tpu.iota {dimensions = array<i32: 0>} : vector<2x1xi32>
    %lt3A = vector.broadcast %get3A_0 : i32 to vector<2x1xi32>
    %lt3A_1 = arith.cmpi slt, %iota3A, %lt3A : vector<2x1xi32>
    %get3A_2 = arith.constant 1 : index
    %get3A_3 = arith.constant 0 : index
    %get3A_4 = vector.load %arg2[%get3A_2, %get3A_3] : memref<2x1024xf32, #tpu.memory_space<vmem>>, vector<1x1024xf32>
    %get3A_5 = arith.constant 0 : index
    %get3A_6 = arith.constant 0 : index
    %get3A_7 = vector.load %arg2[%get3A_5, %get3A_6] : memref<2x1024xf32, #tpu.memory_space<vmem>>, vector<1x1024xf32>
    %broadcast_in_dim3A = vector.shape_cast %lt3A_1 : vector<2x1xi1> to vector<2x1xi1>
    %broadcast_in_dim3A_8 = vector.broadcast %broadcast_in_dim3A : vector<2x1xi1> to vector<2x1024xi1>
    %broadcast_in_dim3A_9 = vector.shape_cast %get3A_4 : vector<1x1024xf32> to vector<1x1024xf32>
    %broadcast_in_dim3A_10 = vector.broadcast %broadcast_in_dim3A_9 : vector<1x1024xf32> to vector<2x1024xf32>
    %broadcast_in_dim3A_11 = vector.shape_cast %get3A_7 : vector<1x1024xf32> to vector<1x1024xf32>
    %broadcast_in_dim3A_12 = vector.broadcast %broadcast_in_dim3A_11 : vector<1x1024xf32> to vector<2x1024xf32>
    %select_n3A = arith.select %broadcast_in_dim3A_8, %broadcast_in_dim3A_10, %broadcast_in_dim3A_12 : vector<2x1024xi1>, vector<2x1024xf32>
    %get3A_13 = arith.constant 0 : index
    %get3A_14 = arith.constant 0 : index
    %get3A_15 = arith.constant 0 : index
    %get3A_16 = vector.load %arg3[%get3A_13, %get3A_14, %get3A_15] : memref<1024x2x1024xf32, #tpu.memory_space<vmem>>, vector<1024x2x1024xf32>
    %broadcast_in_dim3A_17 = vector.shape_cast %select_n3A : vector<2x1024xf32> to vector<1x2x1024xf32>
    %add3A = vector.broadcast %broadcast_in_dim3A_17 : vector<1x2x1024xf32> to vector<1024x2x1024xf32>
    %add3A_18 = arith.addf %get3A_16, %add3A : vector<1024x2x1024xf32>
    %swap3A = arith.constant 0 : index
    %swap3A_19 = arith.constant 0 : index
    %swap3A_20 = arith.constant 0 : index
    %swap3A_21 = vector.load %arg4[%swap3A, %swap3A_19, %swap3A_20] : memref<1024x2x1024xf32, #tpu.memory_space<vmem>>, vector<1024x2x1024xf32>
    tpu.vector_store %arg4[%swap3A, %swap3A_19, %swap3A_20], %add3A_18 {strides = array<i32>} : memref<1024x2x1024xf32, #tpu.memory_space<vmem>>, vector<1024x2x1024xf32>,
    return
  }
  func.func @transform_0(%arg0: i32) -> i32 {
    %c0_i32 = arith.constant 0 : i32
    %c0_i32_0 = arith.constant 0 : i32
    return %c0_i32 : i32
  }
  func.func @transform_1(%arg0: i32) -> (i32, i32) {
    %c0_i32 = arith.constant 0 : i32
    %c0_i32_0 = arith.constant 0 : i32
    %c0_i32_1 = arith.constant 0 : i32
    return %c0_i32, %c0_i32_0 : i32, i32
  }
  func.func @transform_2(%arg0: i32) -> (i32, i32, i32) {
    %c0_i32 = arith.constant 0 : i32
    %c0_i32_0 = arith.constant 0 : i32
    %c0_i32_1 = arith.constant 0 : i32
    return %arg0, %c0_i32, %c0_i32_0 : i32, i32, i32
  }
  func.func @transform_3(%arg0: i32) -> (i32, i32, i32) {
    %c0_i32 = arith.constant 0 : i32
    %c0_i32_0 = arith.constant 0 : i32
    %c0_i32_1 = arith.constant 0 : i32
    return %arg0, %c0_i32, %c0_i32_0 : i32, i32, i32
  }
}

</mosaic_0001>

<sc_bundles>
// kernel: kernel.5.cloned.1.call-start
scs
__scs_entry_jumppad:
0x0: {  	(pc) =	sbr.rel $0x88, $3  }
0x1: {  	(tag) =	ssettag $0x0;
	lr =	simm.s32 $0x1  }
0x2: {  	[smem:$0x3F9E] =	sst lr;
	_ =	strace $0xD0000000  }
0x3: {  	_ = 	snop  }
0x4: {  	_ = 	snop  }
0x5: {  	_ = 	snop  }
0x6: {  	_ = 	snop  }
0x7: {  	_ = 	snop  }
__scs_overlays_trampoline_lowered:
0x8: {  	[smem:$0x3FAD] =	sst s0  }
0x9: {  	[smem:$0x3FAE] =	sst s1  }
0xa: {  	[smem:$0x3FAF] =	sst s2  }
0xb: {  	[smem:$0x3FB0] =	sst s3  }
0xc: {  	[smem:$0x3FB1] =	sst s4  }
0xd: {  	[smem:$0x3FB2] =	sst s5  }
0xe: {  	[smem:$0x3FB3] =	sst s6  }
0xf: {  	[smem:$0x3FB4] =	sst s7  }
0x10: {  	[smem:$0x3FB5] =	sst s8  }
0x11: {  	[smem:$0x3FB6] =	sst s9;
	s0 =	simm.s32 @!p0 $0x0  }
0x12: {  	s1 =	sld [smem:$0x3F9C];
	s0 =	simm.s32 @p0 $0x1  }
0x13: {  	[smem:$0x3FB7] =	sst s0;
	s0 =	simm.s32 @!p1 $0x0  }
0x14: {  	s2 =	sld [smem:$0x3F9B];
	s0 =	simm.s32 @p1 $0x1  }
0x15: {  	[smem:$0x3FB8] =	sst s0;
	s0 =	simm.s32 @!p2 $0x0  }
0x16: {  	s3 =	sld [smem:$0x3FDB];
	s0 =	simm.s32 @p2 $0x1  }
0x17: {  	s4 =	simm.s32 $0x1BF5;
	[smem:$0x3FBA] =	sst s0  }
0x18: {  	s0 =	sld [smem:$0x3F9D];
	_ =	swait.ge [sflag:s4], $0x0  }
0x19: {  	s7 =	sld [smem:$0x3F9E]  }
0x1a: {  	s8 =	sadd.s32 $0xFFFFE003, lr  }
0x1b: {  	s9 =	sadd.s32 $0xFFFFFEF7, lr;
	s5 =	simm.s32 $0xFFFFFFFF;
	p2 =	slt.u32 s8, $0xFFFFF086  }
0x1c: {  	p1 =	slt.u32 s9, $0xF7A;
	s5 =	simm.s32 @!p2 $0x0  }
0x1d: {  	s5 =	simm.s32 @p1 $0x1;
	p0 =	seq.s32 s7, s2  }
0x1e: {  	s7 =	smul.u32 @!p0 $0xF7A, s2;
	p2 =	seq.s32 @!p0 s5, $0x0  }
0x1f: {  	s9 =	smul.u32 $0xF7A, s1;
	s8 =	simm.s32 @!p0 $0x1BF5;
	p2 =	por !p2, p0  }
0x20: {  	[sflag:s8] =	ssyncset.s32 @!p0 $0xFFFFF086;
	s6 =	sadd.s32 @!p0 s3, s7;
	s7 =	simm.s32 @!p0 $0x108  }
0x21: {  	s3 =	sadd.s32 s3, s9;
	s6 =	sadd.s32 @!p0 $0x88, s6;
	s7 =	simm.s32 @p2 $0x1082  }
0x22: {  	[simem:s7], [sflag:s8] =	dma.local @!p0 [hbm:s6], $0xF7A  }
0x23: {  	s9 =	sor.u32 $0xD0000000, s2;
	s6 =	simm.s32 $0x108;
	_ =	swait.ge @!p0 [sflag:s8], $0x0  }
0x24: {  	s3 =	sadd.s32 $0x88, s3;
	s6 =	simm.s32 @!p1 $0x1082;
	[sflag:s4] =	ssyncset.s32 $0xFFFFF086  }
0x25: {  	[simem:s6], [sflag:s4] =	dma.local [hbm:s3], $0xF7A  }
0x26: {  	[smem:$0x3F9E] =	sst s1;
	(tag) =	ssettag s2;
	_ =	strace s9  }
0x27: {  	s1 =	sld [smem:$0x3FAE]  }
0x28: {  	s2 =	sld [smem:$0x3FAF]  }
0x29: {  	s4 =	sld [smem:$0x3FB1]  }
0x2a: {  	p0 =	seq.s32 s5, $0x0;
	s5 =	sld [smem:$0x3FB2]  }
0x2b: {  	s6 =	sld [smem:$0x3FB3]  }
0x2c: {  	s7 =	sld [smem:$0x3FB4]  }
0x2d: {  	s3 =	simm.s32 $0x108;
	s8 =	sld [smem:$0x3FB5]  }
0x2e: {  	s3 =	simm.s32 @!p0 $0x1082;
	s9 =	sld [smem:$0x3FB6]  }
0x2f: {  	lr =	sadd.s32 s0, s3;
	s0 =	sld [smem:$0x3FAD]  }
0x30: {  	s3 =	sld [smem:$0x3FB0]  }
0x31: {  	[smem:$0x3FB9] =	sst s10  }
0x32: {  	s10 =	sld [smem:$0x3FB7];
	_ =	sdelay $0x3  }
0x33: {  	p0 =	seq.s32 s10, $0x1;
	s10 =	sld [smem:$0x3FB9];
	_ =	sdelay $0x3  }
0x34: {  	[smem:$0x3FB9] =	sst s10  }
0x35: {  	s10 =	sld [smem:$0x3FB8];
	_ =	sdelay $0x3  }
0x36: {  	p1 =	seq.s32 s10, $0x1;
	s10 =	sld [smem:$0x3FB9];
	_ =	sdelay $0x3  }
0x37: {  	[smem:$0x3FB9] =	sst s10  }
0x38: {  	s10 =	sld [smem:$0x3FBA]  }
0x39: {  	_ = 	snop;
	(pc) =	sbr.ind lr, $3  }
0x3a: {  	_ = 	snop  }
0x3b: {  	_ = 	snop  }
0x3c: {  	p2 =	seq.s32 s10, $0x1;
	s10 =	sld [smem:$0x3FB9]  }
0x3d: {  	_ =	shalt  }
0x3e: {  	_ =	shalt  }
0x3f: {  	_ =	shalt  }
0x40: {  	_ =	shalt  }
0x41: {  	_ =	shalt  }
0x42: {  	_ =	shalt  }
0x43: {  	_ =	shalt  }
0x44: {  	_ =	shalt  }
0x45: {  	_ =	shalt  }
0x46: {  	_ =	shalt  }
0x47: {  	_ =	shalt  }
0x48: {  	_ =	shalt  }
0x49: {  	_ =	shalt  }
0x4a: {  	_ =	shalt  }
0x4b: {  	_ =	shalt  }
0x4c: {  	_ =	shalt  }
0x4d: {  	_ =	shalt  }
0x4e: {  	_ =	shalt  }
0x4f: {  	_ =	shalt  }
0x50: {  	_ =	shalt  }
0x51: {  	_ =	shalt  }
0x52: {  	_ =	shalt  }
0x53: {  	_ =	shalt  }
0x54: {  	_ =	shalt  }
0x55: {  	_ =	shalt  }
0x56: {  	_ =	shalt  }
0x57: {  	_ =	shalt  }
0x58: {  	_ =	shalt  }
0x59: {  	_ =	shalt  }
0x5a: {  	_ =	shalt  }
0x5b: {  	_ =	shalt  }
0x5c: {  	_ =	shalt  }
0x5d: {  	_ =	shalt  }
0x5e: {  	_ =	shalt  }
0x5f: {  	_ =	shalt  }
0x60: {  	_ =	shalt  }
0x61: {  	_ =	shalt  }
0x62: {  	_ =	shalt  }
0x63: {  	_ =	shalt  }
0x64: {  	_ =	shalt  }
0x65: {  	_ =	shalt  }
0x66: {  	_ =	shalt  }
0x67: {  	_ =	shalt  }
0x68: {  	_ =	shalt  }
0x69: {  	_ =	shalt  }
0x6a: {  	_ =	shalt  }
0x6b: {  	_ =	shalt  }
0x6c: {  	_ =	shalt  }
0x6d: {  	_ =	shalt  }
0x6e: {  	_ =	shalt  }
0x6f: {  	_ =	shalt  }
0x70: {  	_ =	shalt  }
0x71: {  	_ =	shalt  }
0x72: {  	_ =	shalt  }
0x73: {  	_ =	shalt  }
0x74: {  	_ =	shalt  }
0x75: {  	_ =	shalt  }
0x76: {  	_ =	shalt  }
0x77: {  	_ =	shalt  }
0x78: {  	_ =	shalt  }
0x79: {  	_ =	shalt  }
0x7a: {  	_ =	shalt  }
0x7b: {  	_ =	shalt  }
0x7c: {  	_ =	shalt  }
0x7d: {  	_ =	shalt  }
0x7e: {  	_ =	shalt  }
0x7f: {  	_ =	shalt  }
0x80: {  	_ =	shalt  }
0x81: {  	_ =	shalt  }
0x82: {  	_ =	shalt  }
0x83: {  	_ =	shalt  }
0x84: {  	_ =	shalt  }
0x85: {  	_ =	shalt  }
0x86: {  	_ =	shalt  }
0x87: {  	_ =	shalt  }
.Lfunc_end0:
.L_simem_size_0:
called_computation_lowered:
.L_overlay_start_0:
0x88: {  	s0 =	sld [smem:$0x3FD9]  }
0x89: {  	s1 =	sld [smem:$0x3FFE];
	_ =	sdelay $0x3  }
0x8a: {  	s0 =	sadd.s32 s1, s0  }
0x8b: {  	[smem:$0x3FC5] =	sst s0  }
0x8c: {  	_ = 	snop  }
0x8d: {  	s0 =	sld [smem:$0x3FC7];
	(tm) =	ssettm $0x1  }
0x8e: {  	s16 =	sld [smem:$0x3FFB];
	_ =	sdelay $0x3  }
0x8f: {  	_ =	strace s16  }
0x90: {  	s1 =	sld [smem:$0x3FFC];
	_ =	sdelay $0x3  }
0x91: {  	_ =	strace s1  }
0x92: {  	s1 =	sld [smem:$0x3FFD];
	_ =	sdelay $0x3  }
0x93: {  	_ =	strace s1  }
0x94: {  	_ =	strace $0x8FFFFFFF  }
0x95: {  	s17 =	sld [smem:$0x3FDB];
	_ =	sdelay $0x1  }
0x96: {  	s2 =	simm.s32 $_scs_section_size  }
0x97: {  	s3 =	simm.s32 $_size__tile_overlayer_lowered;
	s4 =	simm.s32 $_tile_overlayer_lowered  }
0x98: {  	s20 =	simm.s32 $0x1BFF;
	s19 =	sshll.u32 s4, $0x1;
	s1 =	sadd.s32 s2, s17  }
0x99: {  	s5 =	simm.s32 $0x0;
	s18 =	sshll.u32 s3, $0x1;
	s3 =	sadd.s32 s19, s1  }
0x9a: {  	[timem:s5], [sflag:s20] =	dma.local [hbm:s3], s18  }
0x9b: {  	_ =	swait.ge [sflag:s20], s18  }
0x9c: {  	s2 =	ssub.s32 $0x0, s18;
	[sflag:s20] =	ssyncset.done $0x0  }
0x9d: {  	[sflag:s20] =	ssyncadd.s32 s2;
	_ =	sdelay $0x1  }
0x9e: {  	s21 =	simm.s32 $0x1B8B  }
0x9f: {  	_ =	swait.ge [sflag:s21], $0x1  }
0xa0: {  	[sflag:s21] =	ssyncset.done $0x0  }
0xa1: {  	s23 =	simm.s32 $0x1B8E;
	s22 =	sld [smem:$0x3FFE];
	[sflag:s21] =	ssyncadd.s32 $0xFFFFFFFF  }
0xa2: {  	s24 =	simm.s32 $execute0_lowered;
	[smem:$0x3FD2] =	sst s23  }
0xa3: {  	s3 =	sshll.u32 s24, $0x1;
	_ =	strace $0x80000046;
	[dreg:$0x1] =	wrdreg $0xFFFFFFFF  }
0xa4: {  	s25 =	simm.s32 $_size_execute0_lowered;
	s1 =	sadd.s32 s1, s3;
	[dreg:$0x0] =	wrdreg $0x0  }
0xa5: {  	s3 =	sshll.u32 s25, $0x1;
	[dreg:$0x2] =	wrdreg s1  }
0xa6: {  	[dreg:$0x3] =	wrdreg s3  }
0xa7: {  	[dreg:$0x4] =	wrdreg $0xC0  }
0xa8: {  	_ =	task [dreg:s5], $0x5FFFF  }
0xa9: {  	[dreg:$0x1] =	wrdreg $0xFFFFFFFF  }
0xaa: {  	[dreg:$0x0] =	wrdreg $0x60  }
0xab: {  	[dreg:$0x2] =	wrdreg s22  }
0xac: {  	[dreg:$0x3] =	wrdreg s0  }
0xad: {  	[dreg:$0x4] =	wrdreg $0x9  }
0xae: {  	_ =	task.clear_ibuf [dreg:s5], $0x5FFFF;
	_ =	strace $0x90000046  }
0xaf: {  	s26 =	simm.s32 $0x9;
	_ =	strace $0x80000048  }
0xb0: {  	_ =	swait.ge [sflag:s26], $0x1  }
0xb1: {  	[sflag:s26] =	ssyncadd.s32 $0xFFFFFFFF  }
0xb2: {  	_ =	strace $0x90000048  }
0xb3: {  	_ =	sfence  }
0xb4: {  	s28 =	sld [smem:$0x0];
	_ =	sdelay $0x1  }
0xb5: {  	s29 =	srdreg.scid  }
0xb6: {  	s30 =	sshll.u32 s29, $0xD;
	s31 =	sshrl.u32 s29, $0x2  }
0xb7: {  	s2 =	sand.u32 $0x4000, s30;
	s1 =	sand.u32 $0x1, s29;
	s0 =	sadd.s32 s31, s28  }
0xb8: {  	s1 =	sor.u32 s2, s1;
	s0 =	sshll.u32 s0, $0x11  }
0xb9: {  	s0 =	sor.u32 s0, s1  }
0xba: {  	s0 =	sadd.s32 $0x8F2B, s0  }
0xbb: {  	[sflag:s0] =	ssyncadd.remote.s32 $0x1  }
0xbc: {  	_ =	sfence.sel $0xFFFF  }
0xbd: {  	[dreg:$0x0] =	wrdreg $0xFFFFFFFF;
	(pc) =	sbr.abs _section_cstart, $3  }
0xbe: {  	[dreg:$0x1] =	wrdreg $0xFFFFFFFF  }
0xbf: {  	_ =	task.clear_ibuf [dreg:s5], $0x2FFFF;
	_ =	strace $0x9FFFFFFF  }
0xc0: {  	(tm) =	ssettm $0x7FFFFFFF  }
0xc1: {  	_ =	shalt  }
tec
execute0_lowered:
.L_overlay_start_1:
0x0: {  	(tag) =	ssettag $0x1  }
0x1: {  	s3 =	rddreg [dreg:$0x0]  }
0x2: {  	s4 =	rddreg [dreg:$0x1];
	s1 =	stileid.u32  }
0x3: {  	s0 =	rddreg [dreg:$0x2];
	_ =	strace $0x80000047;
	p0 =	sne.s32 s1, $0x0  }
0x4: {  	_ =	sfence.sel @p0 $0x180000  }
0x5: {  	[bflag:$0x0] =	sbarrier.arrive @p0 $0xFFFF  }
0x6: {  	_ =	strace @p0 $0x90000047  }
0x7: {  	[bflag:$0x2] =	sbarrier.arrive @p0 $0xFFFF  }
0x8: {  	_ =	shalt @p0  }
.LBB2_1:
0x9: {  	s1 =	sadd.s32 $0xA00, s3;
	s2 =	simm.s32 $0x0;
	s15 =	simm.s32 $0x2  }
0xa: {  	[tilespmem:s2], [sflag:$0x2] =	stream.linear.gather [hbm4b:s1+s2], $0x80, $0x38;
	[tilespmem:$0x4100] =	vst v63  }
0xb: {  	_ =	swait.ge [sflag:s15], $0x80  }
0xc: {  	[sflag:s15] =	ssyncset.done $0x0  }
0xd: {  	[sflag:s15] =	ssyncadd.s32 $0xFFFFFF80  }
0xe: {  	v0 =	vld.msk [tilespmem:$0x0 ss:$0x0], $0xffff;
	_ =	sdelay $0x3  }
0xf: {  	v1 =	vlaneseq.u32  }
0x10: {  	v63 =	vimm.s32 $0x0;
	vm0 =	vgt.s32 v0, v1  }
0x11: {  	v2 =	vand.u32 $0x7, v1;
	v3 =	vshrl.u32 v1, $0x3;
	v0 =	vsel vm0, $0x1, v63  }
0x12: {  	v3 =	vmul.u32 $0x2, v3;
	v2 =	vperm.xlane v0, v2;
	_ =	sdelay $0x1  }
0x13: {  	v2 =	vadd.s32 v3, v2;
	_ =	sdelay $0x3  }
0x14: {  	vm15 =	vmmov $0xffff;
	s5 =	simm.s32 $0x100;
	[tilespmem:$0x80] =	vst v0  }
0x15: {  	v1 =	vor.u32 $0x8, v1;
	[tilespmem:s5], [sflag:$0x1] =	stream.indirect_vreg.gather [hbm4b:s4+s2], $0x80, v2, vm15, $0xb8;
	[tilespmem:$0x4100] =	vst v63  }
0x16: {  	s6 =	sadd.s32 $0x40, s4;
	s7 =	simm.s32 $0x900;
	v0 =	vperm.xlane v0, v1  }
0x17: {  	[tilespmem:s7], [sflag:$0x1] =	stream.indirect_vreg.gather [hbm4b:s6+s2], $0x80, v2, vm15, $0xb8;
	[tilespmem:$0x4100] =	vst v63  }
0x18: {  	s8 =	sadd.s32 $0x80, s4;
	s9 =	simm.s32 $0x1100;
	v0 =	vadd.s32 v3, v0  }
0x19: {  	[tilespmem:s9], [sflag:$0x1] =	stream.indirect_vreg.gather [hbm4b:s8+s2], $0x80, v2, vm15, $0xb8;
	[tilespmem:$0x4100] =	vst v63  }
0x1a: {  	s10 =	sadd.s32 $0xC0, s4;
	s11 =	simm.s32 $0x1900  }
0x1b: {  	[tilespmem:s11], [sflag:$0x1] =	stream.indirect_vreg.gather [hbm4b:s10+s2], $0x80, v2, vm15, $0xb8;
	[tilespmem:$0x4100] =	vst v63  }
0x1c: {  	s12 =	simm.s32 $0x2100  }
0x1d: {  	[tilespmem:s12], [sflag:$0x1] =	stream.indirect_vreg.gather [hbm4b:s4+s2], $0x80, v0, vm15, $0xb8;
	[tilespmem:$0x4100] =	vst v63  }
0x1e: {  	s16 =	simm.s32 $0x2900  }
0x1f: {  	[tilespmem:s16], [sflag:$0x1] =	stream.indirect_vreg.gather [hbm4b:s6+s2], $0x80, v0, vm15, $0xb8;
	[tilespmem:$0x4100] =	vst v63  }
0x20: {  	s17 =	simm.s32 $0x3100  }
0x21: {  	[tilespmem:s17], [sflag:$0x1] =	stream.indirect_vreg.gather [hbm4b:s8+s2], $0x80, v0, vm15, $0xb8;
	[tilespmem:$0x4100] =	vst v63  }
0x22: {  	s18 =	simm.s32 $0x3900;
	s19 =	simm.s32 $0x1  }
0x23: {  	[tilespmem:s18], [sflag:$0x1] =	stream.indirect_vreg.gather [hbm4b:s10+s2], $0x80, v0, vm15, $0xb8;
	[tilespmem:$0x4100] =	vst v63  }
0x24: {  	_ =	swait.ge [sflag:s19], $0x4000  }
0x25: {  	[sflag:s19] =	ssyncset.done $0x0  }
0x26: {  	s20 =	sadd.s32 $0xC00, s3;
	[sflag:s19] =	ssyncadd.s32 $0xFFFFC000  }
0x27: {  	[hbm4b:s20+s2] =	stream.linear.scatter [tilespmem:s5], [sflag:$0x2], $0x100, $0x38;
	[tilespmem:$0x4100] =	vst v63  }
0x28: {  	s22 =	simm.s32 $0x500;
	s21 =	sadd.s32 $0x20, s20  }
0x29: {  	[hbm4b:s21+s2] =	stream.linear.scatter [tilespmem:s22], [sflag:$0x2], $0x100, $0x38;
	[tilespmem:$0x4100] =	vst v63  }
0x2a: {  	s23 =	sadd.s32 $0x40, s20  }
0x2b: {  	[hbm4b:s23+s2] =	stream.linear.scatter [tilespmem:s7], [sflag:$0x2], $0x100, $0x38;
	[tilespmem:$0x4100] =	vst v63  }
0x2c: {  	s25 =	simm.s32 $0xD00;
	s24 =	sadd.s32 $0x60, s20  }
0x2d: {  	[hbm4b:s24+s2] =	stream.linear.scatter [tilespmem:s25], [sflag:$0x2], $0x100, $0x38;
	[tilespmem:$0x4100] =	vst v63  }
0x2e: {  	s26 =	sadd.s32 $0x80, s20  }
0x2f: {  	[hbm4b:s26+s2] =	stream.linear.scatter [tilespmem:s9], [sflag:$0x2], $0x100, $0x38;
	[tilespmem:$0x4100] =	vst v63  }
0x30: {  	s29 =	simm.s32 $0x1500;
	s28 =	sadd.s32 $0xA0, s20  }
0x31: {  	[hbm4b:s28+s2] =	stream.linear.scatter [tilespmem:s29], [sflag:$0x2], $0x100, $0x38;
	[tilespmem:$0x4100] =	vst v63  }
0x32: {  	s30 =	sadd.s32 $0xC0, s20  }
0x33: {  	[hbm4b:s30+s2] =	stream.linear.scatter [tilespmem:s11], [sflag:$0x2], $0x100, $0x38;
	[tilespmem:$0x4100] =	vst v63  }
0x34: {  	s31 =	simm.s32 $0x1D00;
	s3 =	sadd.s32 $0xE0, s20  }
0x35: {  	[hbm4b:s3+s2] =	stream.linear.scatter [tilespmem:s31], [sflag:$0x2], $0x100, $0x38;
	[tilespmem:$0x4100] =	vst v63  }
0x36: {  	_ =	swait.ge [sflag:s15], $0x800  }
0x37: {  	[sflag:s15] =	ssyncset.done $0x0  }
0x38: {  	[sflag:s15] =	ssyncadd.s32 $0xFFFFF800  }
0x39: {  	_ =	sfence.sel $0x180000  }
0x3a: {  	[bflag:$0x0] =	sbarrier.arrive $0xFFFF  }
0x3b: {  	_ =	strace $0x90000047  }
0x3c: {  	s0 =	sadd.s32 $0x100000, s0;
	[bflag:$0x2] =	sbarrier.arrive $0xFFFF  }
0x3d: {  	[sflag:s0] =	ssyncadd.tile.s32 $0x1;
	_ =	shalt  }
.Lfunc_end2:
_tile_overlayer_lowered:
.L_overlay_start_2:
0x3e: {  	(tag) =	ssettag $0x2  }
0x3f: {  	s0 =	rddreg [dreg:$0x0];
	s2 =	stileid.u32  }
0x40: {  	s1 =	rddreg [dreg:$0x1];
	p0 =	sne.s32 s2, $0x0  }
0x41: {  	s3 =	rddreg [dreg:$0x2];
	[bflag:$0x3] =	sbarrier.arrive $0xFFFF;
	s2 =	simm.s32 @!p0 $0x1C02  }
0x42: {  	[timem:s3], [sflag:s2] =	dma.local @!p0 [hbm:s0], s1  }
0x43: {  	s0 =	simm.s32 @!p0 $0x2  }
0x44: {  	_ =	swait.ge @!p0 [sflag:s0], s1  }
0x45: {  	s1 =	ssub.s32 @!p0 $0x0, s1;
	[sflag:s0] =	ssyncset.done @!p0 $0x0  }
0x46: {  	[sflag:s0] =	ssyncadd.s32 @!p0 s1  }
0x47: {  	[bflag:$0x3] =	sbarrier.arrive $0xFFFF  }
0x48: {  	_ =	shalt  }

</sc_bundles>
